<compile_context>
chip_gen: v7x
topology: tpu7x:2x2x1
jax: 0.10.2.dev20260603
libtpu: 0.0.44.dev20260713+nightly
codegen_flags: <defaults>
</compile_context>

<pallas_src>
import jax
import jax.numpy as jnp
from jax.experimental import pallas as pl

_TBLK = 8


def _add_body(emb_ref, x_ref, o_ref):
    o_ref[...] = x_ref[...] + emb_ref[...][:, None, :]


def kernel(x, table):
    B, T, N, C = x.shape
    R = N * C // 128
    x2 = x.reshape(B, T, R, 128)
    table2 = jnp.concatenate([table, table], axis=1)

    out2 = pl.pallas_call(
        _add_body,
        grid=(B, T // _TBLK),
        in_specs=[
            pl.BlockSpec((_TBLK, 128), lambda b, t: (t, 0)),
            pl.BlockSpec((1, _TBLK, R, 128), lambda b, t: (b, t, 0, 0)),
        ],
        out_specs=pl.BlockSpec((1, _TBLK, R, 128), lambda b, t: (b, t, 0, 0)),
        out_shape=jax.ShapeDtypeStruct((B, T, R, 128), x.dtype),
    )(table2, x2)
    return out2.reshape(B, T, N, C)

# --- scband reference (transcript-rebuilt; emitter-appended) ---
"""Pipeline reference for scband-temporal-embedding-36249523978521 (READ-ONLY COPY).

The authoritative reference and input builder live on the scoring server;
editing this copy changes nothing except your own understanding.
"""

import jax, jax.numpy as jnp
import numpy as np

NUM_POSITIONS = 96
D_MODEL = 64
B, T, N, C = 16, 64, 1024, 64

def setup_inputs(seed: int = 0) -> dict:
    key = jax.random.key(seed)
    k1, k2 = jax.random.split(key)
    x = jax.random.normal(k1, (B, T, N, C), dtype=jnp.float32)
    table = jax.random.normal(k2, (NUM_POSITIONS, D_MODEL), dtype=jnp.float32) * 0.02
    return {"x": x, "table": table}

def reference(x, table):
    batch_size, temporal_dim, num_nodes, channels = x.shape
    positions = jnp.arange(temporal_dim)[None, :]  # [1, T]
    embedded_positions = jnp.take(table, positions, axis=0)  # [1, T, C]
    embedded_positions = embedded_positions[:, :, None, :]  # [1, T, 1, C]
    embedded_positions = jnp.broadcast_to(embedded_positions, (batch_size, temporal_dim, num_nodes, channels))
    return x + embedded_positions

if __name__ == "__main__":
    import jax
    _d = setup_inputs()
    print(jax.jit(kernel)(*tuple(_d.values())))

</pallas_src>

<mosaic_0001>
module attributes {stable_mosaic.version = 14 : i64} {
  func.func @_add_body(%arg0: i32, %arg1: i32, %arg2: memref<8x128xf32, #tpu.memory_space<vmem>>, %arg3: memref<1x8x512x128xf32, #tpu.memory_space<vmem>>, %arg4: memref<1x8x512x128xf32, #tpu.memory_space<vmem>>) attributes {dimension_semantics = [#tpu.dimension_semantics<arbitrary>, #tpu.dimension_semantics<arbitrary>], iteration_bounds = array<i64: 16, 8>, scalar_prefetch = 0 : i64, scratch_operands = 0 : i64, tpu.core_type = #tpu.core_type<tc>, window_params = [{transform_indices = @transform_0, window_bounds = array<i64: 8, 128>}, {transform_indices = @transform_1, window_bounds = array<i64: 1, 8, 512, 128>}, {transform_indices = @transform_2, window_bounds = array<i64: 1, 8, 512, 128>}]} {
    %get3A = arith.constant 0 : index
    %get3A_0 = arith.constant 0 : index
    %get3A_1 = arith.constant 0 : index
    %get3A_2 = arith.constant 0 : index
    %get3A_3 = vector.load %arg3[%get3A, %get3A_0, %get3A_1, %get3A_2] : memref<1x8x512x128xf32, #tpu.memory_space<vmem>>, vector<1x8x512x128xf32>
    %get3A_4 = arith.constant 0 : index
    %get3A_5 = arith.constant 0 : index
    %get3A_6 = vector.load %arg2[%get3A_4, %get3A_5] : memref<8x128xf32, #tpu.memory_space<vmem>>, vector<8x128xf32>
    %broadcast_in_dim3A = vector.shape_cast %get3A_6 : vector<8x128xf32> to vector<8x1x128xf32>
    %broadcast_in_dim3A_7 = vector.shape_cast %broadcast_in_dim3A : vector<8x1x128xf32> to vector<1x8x1x128xf32>
    %add3A = vector.broadcast %broadcast_in_dim3A_7 : vector<1x8x1x128xf32> to vector<1x8x512x128xf32>
    %add3A_8 = arith.addf %get3A_3, %add3A : vector<1x8x512x128xf32>
    %swap3A = arith.constant 0 : index
    %swap3A_9 = arith.constant 0 : index
    %swap3A_10 = arith.constant 0 : index
    %swap3A_11 = arith.constant 0 : index
    %swap3A_12 = vector.load %arg4[%swap3A, %swap3A_9, %swap3A_10, %swap3A_11] : memref<1x8x512x128xf32, #tpu.memory_space<vmem>>, vector<1x8x512x128xf32>
    tpu.vector_store %arg4[%swap3A, %swap3A_9, %swap3A_10, %swap3A_11], %add3A_8 {strides = array<i32>} : memref<1x8x512x128xf32, #tpu.memory_space<vmem>>, vector<1x8x512x128xf32>,
    return
  }
  func.func @transform_0(%arg0: i32, %arg1: i32) -> (i32, i32) {
    %c0_i32 = arith.constant 0 : i32
    %c0_i32_0 = arith.constant 0 : i32
    return %arg1, %c0_i32 : i32, i32
  }
  func.func @transform_1(%arg0: i32, %arg1: i32) -> (i32, i32, i32, i32) {
    %c0_i32 = arith.constant 0 : i32
    %c0_i32_0 = arith.constant 0 : i32
    %c0_i32_1 = arith.constant 0 : i32
    return %arg0, %arg1, %c0_i32, %c0_i32_0 : i32, i32, i32, i32
  }
  func.func @transform_2(%arg0: i32, %arg1: i32) -> (i32, i32, i32, i32) {
    %c0_i32 = arith.constant 0 : i32
    %c0_i32_0 = arith.constant 0 : i32
    %c0_i32_1 = arith.constant 0 : i32
    return %arg0, %arg1, %c0_i32, %c0_i32_0 : i32, i32, i32, i32
  }
}

</mosaic_0001>

<sc_bundles>
// kernel: sparse-core-data-format-call.cloned.1.call-start
scs
called_computation_lowered:
.L_overlay_start_0:
0x0: {  	s2 =	sld [smem:$0x3FD9]  }
0x1: {  	s3 =	sld [smem:$0x3FFE];
	_ =	sdelay $0x1  }
0x2: {  	s1 =	srdreg.scid  }
0x3: {  	s0 =	sand.u32 $0x1, s1  }
0x4: {  	s18 =	sshll.u32 s0, $0xA;
	s2 =	sadd.s32 s3, s2  }
0x5: {  	s2 =	sadd.s32 s2, s18  }
0x6: {  	[smem:$0x3FC6] =	sst s2  }
0x7: {  	_ = 	snop  }
0x8: {  	s2 =	sld [smem:$0x3FD0];
	(tm) =	ssettm $0x1  }
0x9: {  	s19 =	sld [smem:$0x3FFB];
	_ =	sdelay $0x3  }
0xa: {  	_ =	strace s19  }
0xb: {  	s3 =	sld [smem:$0x3FFC];
	_ =	sdelay $0x3  }
0xc: {  	_ =	strace s3  }
0xd: {  	s3 =	sld [smem:$0x3FFD];
	_ =	sdelay $0x3  }
0xe: {  	_ =	strace s3  }
0xf: {  	_ =	strace $0x8FFFFFFF  }
0x10: {  	s20 =	sld [smem:$0x3FDB];
	_ =	sdelay $0x1  }
0x11: {  	s4 =	simm.s32 $_scs_section_size  }
0x12: {  	s5 =	simm.s32 $_size__tile_overlayer_lowered;
	s6 =	simm.s32 $_tile_overlayer_lowered  }
0x13: {  	s23 =	simm.s32 $0x1BFF;
	s22 =	sshll.u32 s6, $0x1;
	s3 =	sadd.s32 s4, s20  }
0x14: {  	s7 =	simm.s32 $0x0;
	s21 =	sshll.u32 s5, $0x1;
	s5 =	sadd.s32 s22, s3  }
0x15: {  	[timem:s7], [sflag:s23] =	dma.local [hbm:s5], s21  }
0x16: {  	_ =	swait.ge [sflag:s23], s21  }
0x17: {  	s4 =	ssub.s32 $0x0, s21;
	[sflag:s23] =	ssyncset.done $0x0  }
0x18: {  	[sflag:s23] =	ssyncadd.s32 s4;
	_ =	sdelay $0x1  }
0x19: {  	s24 =	simm.s32 $0x1B8B  }
0x1a: {  	_ =	swait.ge [sflag:s24], $0x1  }
0x1b: {  	[sflag:s24] =	ssyncset.done $0x0  }
0x1c: {  	s26 =	simm.s32 $0x1B8E;
	s25 =	sld [smem:$0x3FFE];
	[sflag:s24] =	ssyncadd.s32 $0xFFFFFFFF  }
0x1d: {  	s27 =	simm.s32 $execute0_lowered;
	[smem:$0x3FD2] =	sst s26  }
0x1e: {  	s5 =	sshll.u32 s27, $0x1;
	_ =	strace $0x80000046;
	[dreg:$0x1] =	wrdreg $0xFFFFFFFF  }
0x1f: {  	s28 =	simm.s32 $_size_execute0_lowered;
	s3 =	sadd.s32 s3, s5;
	[dreg:$0x0] =	wrdreg $0x0  }
0x20: {  	s5 =	sshll.u32 s28, $0x1;
	[dreg:$0x2] =	wrdreg s3  }
0x21: {  	[dreg:$0x3] =	wrdreg s5  }
0x22: {  	[dreg:$0x4] =	wrdreg $0xC0  }
0x23: {  	_ =	task [dreg:s7], $0x5FFFF  }
0x24: {  	[dreg:$0x1] =	wrdreg $0xFFFFFFFF  }
0x25: {  	[dreg:$0x0] =	wrdreg $0x60  }
0x26: {  	[dreg:$0x2] =	wrdreg s25  }
0x27: {  	[dreg:$0x3] =	wrdreg s2  }
0x28: {  	[dreg:$0x4] =	wrdreg $0x9  }
0x29: {  	_ =	task.clear_ibuf [dreg:s7], $0x5FFFF;
	_ =	strace $0x90000046  }
0x2a: {  	s29 =	simm.s32 $0x9;
	_ =	strace $0x80000048  }
0x2b: {  	_ =	swait.ge [sflag:s29], $0x1  }
0x2c: {  	[sflag:s29] =	ssyncadd.s32 $0xFFFFFFFF  }
0x2d: {  	_ =	strace $0x90000048  }
0x2e: {  	_ =	sfence  }
0x2f: {  	s30 =	sld [smem:$0x0];
	_ =	sdelay $0x2  }
0x30: {  	s31 =	sshll.u32 s1, $0xD;
	s1 =	sshrl.u32 s1, $0x2  }
0x31: {  	s3 =	sand.u32 $0x4000, s31;
	s1 =	sadd.s32 s1, s30  }
0x32: {  	s0 =	sor.u32 s3, s0;
	s1 =	sshll.u32 s1, $0x11  }
0x33: {  	s0 =	sor.u32 s1, s0  }
0x34: {  	s0 =	sadd.s32 $0x8F2B, s0  }
0x35: {  	[sflag:s0] =	ssyncadd.remote.s32 $0x1  }
0x36: {  	_ =	sfence.sel $0xFFFF  }
0x37: {  	[dreg:$0x0] =	wrdreg $0xFFFFFFFF;
	(pc) =	sbr.abs _section_cstart, $3  }
0x38: {  	[dreg:$0x1] =	wrdreg $0xFFFFFFFF  }
0x39: {  	_ =	task.clear_ibuf [dreg:s7], $0x2FFFF;
	_ =	strace $0x9FFFFFFF  }
0x3a: {  	(tm) =	ssettm $0x7FFFFFFF  }
0x3b: {  	_ =	shalt  }
tec
execute0_lowered:
.L_overlay_start_1:
0x0: {  	(tag) =	ssettag $0x1  }
0x1: {  	s7 =	rddreg [dreg:$0x0]  }
0x2: {  	s0 =	srdreg.scid;
	s2 =	rddreg [dreg:$0x1];
	s5 =	simm.s32 $0x1  }
0x3: {  	s9 =	simm.s32 $0x2;
	s14 =	simm.s32 $0x0;
	p0 =	por $0x0, $0x0  }
0x4: {  	s15 =	simm.s32 $0x0;
	s16 =	simm.s32 $0x0;
	s1 =	sshll.u32 s0, $0x1  }
0x5: {  	s10 =	simm.s32 $0x0;
	s12 =	stileid.u32;
	s3 =	sand.u32 $0x2, s1  }
0x6: {  	s13 =	simm.s32 $0x0;
	s0 =	rddreg [dreg:$0x2];
	s6 =	ssub.s32 $0x40, s3  }
.Ltmp0:
0x7: {  	_ =	strace $0x80000047;
	s8 =	sshrl.u32 s6, $0x1;
	(pc) =	sbr.rel .LBB1_1-.Ltmp0, $4  }
0x8: {  	s4 =	sadd.s32 $0x800600, s7;
	s6 =	sshrl.u32 s6, $0x2;
	s8 =	sand.u32 $0x1, s8  }
0x9: {  	s7 =	sadd.s32 $0x804600, s7;
	[sflag:s5] =	ssyncpa.u1 $0x0;
	s6 =	sadd.s32 s6, s8  }
0xa: {  	s1 =	stileid.u32;
	[sflag:s9] =	ssyncpa.u1 $0x0;
	s6 =	sshll.u32 s6, $0x3  }
0xb: {  	s9 =	simm.s32 $0x2000;
	s11 =	smov.u32 s3;
	s8 =	sor.u32 $0x1, s6  }
.LBB1_7:
0xc: {  	s17 =	sadd.s32 $0x80, s10  }
0xd: {  	s14 =	sadd.s32 $0x4, s11;
	s18 =	smov.u32 s11;
	p2 =	sgt.s32 s17, $0x3FF  }
0xe: {  	s18 =	smov.u32 @p2 s14  }
0xf: {  	s20 =	smov.u32 s12;
	s14 =	sadd.s32 $0x10, s12;
	p3 =	sgt.s32 s18, $0x3F  }
0x10: {  	s20 =	smov.u32 @p3 s14  }
0x11: {  	s17 =	simm.s32 @p2 $0x0;
	p2 =	sgt.s32 s20, $0xF  }
0x12: {  	p1 =	slt.u32 s13, $0x2;
	s20 =	smov.u32 @p2 s1;
	p2 =	sne.s32 s13, s8  }
.Ltmp1:
0x13: {  	s19 =	simm.s32 @!p1 $0x2;
	(pc) =	sbr.rel @!p2 .LBB1_8-.Ltmp1, $4  }
0x14: {  	s15 =	smov.u32 s11;
	s16 =	smov.u32 s12;
	_ =	swait.ge @!p1 [sflag:s19], $0x4000  }
0x15: {  	p0 =	por !p0, !p0;
	[sflag:s19] =	ssyncset.done @!p1 $0x0;
	s18 =	smov.u32 @p3 s3  }
0x16: {  	s14 =	smov.u32 s10;
	[sflag:s19] =	ssyncadd.s32 @!p1 $0xFFFFC000;
	s10 =	smov.u32 s17  }
0x17: {  	s11 =	smov.u32 s18;
	s13 =	sadd.s32 $0x1, s13;
	s12 =	smov.u32 s20  }
.LBB1_1:
0x18: {  	p1 =	sge.u32 s13, s6  }
0x19: {  	s17 =	sxor.u32 @!p1 $0xFFFFFFFF, s13;
	s18 =	sshll.u32 @!p1 s12, $0x14  }
0x1a: {  	s19 =	sshll.u32 @!p1 s11, $0xE;
	s21 =	sshll.u32 @!p1 s10, $0x4;
	s22 =	simm.s32 @!p1 $0x40  }
0x1b: {  	s23 =	simm.s32 @!p1 $0x80;
	s17 =	sshll.u32 @!p1 s17, $0xE;
	s20 =	sadd.s32 @!p1 s18, s19  }
0x1c: {  	s21 =	sand.u32 @!p1 $0x3FF0, s21;
	s18 =	sadd.s32 @!p1 s18, s7;
	s20 =	sadd.s32 @!p1 s4, s20  }
0x1d: {  	s17 =	sand.u32 @!p1 $0x4000, s17;
	s18 =	sadd.s32 @!p1 s19, s18;
	s20 =	sadd.s32 @!p1 s21, s20  }
0x1e: {  	[tilespmem:s17], [sflag:$0x1] =	stream.strided.gather @!p1 [hbm4b:s20+s22], $0x2000, s23, s22, $0x38;
	[tilespmem:$0x10100] =	vst v63  }
0x1f: {  	s31 =	sadd.s32 $0xFFFFFFFF, s13;
	s18 =	sadd.s32 @!p1 s21, s18;
	s17 =	sor.u32 @!p1 $0x2000, s17  }
0x20: {  	[tilespmem:s17], [sflag:$0x1] =	stream.strided.gather @!p1 [hbm4b:s18+s22], $0x2000, s23, s22, $0x38;
	[tilespmem:$0x10100] =	vst v63  }
0x21: {  	p1 =	sge.u32 s31, s6  }
.Ltmp2:
0x22: {  	_ = 	snop;
	(pc) =	sbr.rel @p1 .LBB1_7-.Ltmp2, $1  }
0x23: {  	_ =	sdelay $0x3  }
0x24: {  	s17 =	simm.s32 $0x1;
	s19 =	sand.u32 $0x1, s13  }
0x25: {  	_ =	swait.ge [sflag:s5], $0x4000;
	s17 =	simm.s32 @!p0 $0x0;
	s19 =	smul.u32 $0x10200, s19  }
0x26: {  	p2 =	por $0x1, $0x1;
	[sflag:s5] =	ssyncset.done $0x0;
	s18 =	smul.u32 $0x10200, s17  }
0x27: {  	s20 =	sshll.u32 s17, $0x10;
	[sflag:s5] =	ssyncadd.s32 $0xFFFFC000;
	s30 =	sshrl.u32 s19, $0x2  }
0x28: {  	s31 =	sshrl.u32 s20, $0x2;
	s20 =	simm.s32 $0x0;
	s18 =	sshrl.u32 s18, $0x2  }
0x29: {  	s17 =	sor.u32 $0x8000, s30;
	s19 =	sadd.s32 $0x20, s31;
	s18 =	sor.u32 $0x8000, s18  }
.LBB1_3:
0x2a: {  	s21 =	sshll.u32 s20, $0xD  }
0x2b: {  	s21 =	sand.u32 $0x3FFFE000, s21  }
0x2c: {  	s23 =	sadd.s32 s21, s19  }
0x2d: {  	s31 =	smul.u32 $0x8100, s20;
	v3 =	vld [tilespmem:s23+$0x10]  }
0x2e: {  	v1 =	vld [tilespmem:s23+$0xFFFFFFF0]  }
0x2f: {  	s20 =	sshra.s32 s31, $0x2;
	v0 =	vld [tilespmem:s23+$0x0]  }
0x30: {  	s20 =	sadd.s32 s20, s18;
	v2 =	vld [tilespmem:s23+$0xFFFFFFE0]  }
0x31: {  	s21 =	sadd.s32 $0x0, s20  }
0x32: {  	p1 =	por p2, p2;
	s22 =	simm.s32 $0x4;
	s23 =	sadd.s32 $0x40, s23;
	[tilespmem:s21+$0x1830 ss:$0x81] =	vst.msk $0xffff, v3  }
.LBB1_4:
0x33: {  	v3 =	vld [tilespmem:s23+$0x10];
	p2 =	sne.s32 s22, $0x1FC;
	[tilespmem:s21+$0x810 ss:$0x81] =	vst.msk $0xffff, v1;
	s24 =	smov.u32 s22;
	s22 =	sadd.s32 $0x4, s22  }
.Ltmp3:
0x34: {  	v1 =	vld [tilespmem:s23+$0xFFFFFFF0];
	[tilespmem:s21+$0x1020 ss:$0x81] =	vst.msk $0xffff, v0;
	(pc) =	sbr.rel @p2 .LBB1_4-.Ltmp3, $4  }
0x35: {  	v0 =	vld [tilespmem:s23+$0x0];
	[tilespmem:s21+$0x0 ss:$0x81] =	vst.msk $0xffff, v2  }
0x36: {  	s21 =	sshra.s32 s24, $0x2;
	v2 =	vld [tilespmem:s23+$0xFFFFFFE0]  }
0x37: {  	s21 =	sadd.s32 s21, s20  }
0x38: {  	s23 =	sadd.s32 $0x40, s23;
	[tilespmem:s21+$0x1830 ss:$0x81] =	vst.msk $0xffff, v3  }
.Ltmp4:
0x39: {  	(pc) =	sbr.rel @p1 .LBB1_3-.Ltmp4, $4  }
0x3a: {  	_ = 	snop  }
0x3b: {  	[tilespmem:s21+$0x810 ss:$0x81] =	vst.msk $0xffff, v1  }
0x3c: {  	[tilespmem:s21+$0x1020 ss:$0x81] =	vst.msk $0xffff, v0  }
0x3d: {  	s20 =	simm.s32 $0x1;
	p2 =	por $0x0, $0x0;
	[tilespmem:s21+$0x0 ss:$0x81] =	vst.msk $0xffff, v2  }
0x3e: {  	s16 =	sshll.u32 s16, $0x13;
	s18 =	sand.u32 $0x1F80, s14  }
.Ltmp5:
0x3f: {  	s15 =	sshll.u32 s15, $0xD;
	s16 =	sadd.s32 s2, s16;
	(pc) =	sbr.rel .LBB1_7-.Ltmp5, $4  }
0x40: {  	s19 =	sshrl.u32 s14, $0x3;
	s30 =	sand.u32 $0x7, s14;
	s15 =	sadd.s32 s15, s16  }
0x41: {  	s31 =	sand.u32 $0xF, s19;
	s14 =	sshll.u32 s30, $0x12;
	s15 =	sadd.s32 s18, s15  }
0x42: {  	s14 =	sor.u32 $0x400, s14;
	s15 =	sadd.s32 s31, s15  }
0x43: {  	[hbm4b:s15+s14] =	stream.strided.scatter [tilespmem:s17], [sflag:$0x2], $0x4000, s9, s14, $0x20;
	[tilespmem:$0x10100] =	vst v63  }
.LBB1_8:
0x44: {  	_ =	sfence.sel $0x180000  }
0x45: {  	s2 =	simm.s32 $0x1;
	[bflag:$0x0] =	sbarrier.arrive $0xFFFF  }
0x46: {  	s31 =	simm.s32 $0x2;
	[sflag:s2] =	ssyncpa.u1 $0x1  }
0x47: {  	[sflag:s31] =	ssyncpa.u1 $0x1  }
0x48: {  	p0 =	sne.s32 s1, $0x0;
	_ =	strace $0x90000047  }
0x49: {  	s0 =	sadd.s32 @!p0 $0x100000, s0;
	[bflag:$0x2] =	sbarrier.arrive $0xFFFF  }
0x4a: {  	[sflag:s0] =	ssyncadd.tile.s32 @!p0 $0x1;
	_ =	shalt  }
.Lfunc_end1:
_tile_overlayer_lowered:
.L_overlay_start_2:
0x4b: {  	(tag) =	ssettag $0x2  }
0x4c: {  	s0 =	rddreg [dreg:$0x0];
	s2 =	stileid.u32  }
0x4d: {  	s1 =	rddreg [dreg:$0x1];
	p0 =	sne.s32 s2, $0x0  }
0x4e: {  	s3 =	rddreg [dreg:$0x2];
	[bflag:$0x3] =	sbarrier.arrive $0xFFFF;
	s2 =	simm.s32 @!p0 $0x1C01  }
0x4f: {  	[timem:s3], [sflag:s2] =	dma.local @!p0 [hbm:s0], s1  }
0x50: {  	s0 =	simm.s32 @!p0 $0x1  }
0x51: {  	_ =	swait.ge @!p0 [sflag:s0], s1  }
0x52: {  	s1 =	ssub.s32 @!p0 $0x0, s1;
	[sflag:s0] =	ssyncset.done @!p0 $0x0  }
0x53: {  	[sflag:s0] =	ssyncadd.s32 @!p0 s1  }
0x54: {  	[bflag:$0x3] =	sbarrier.arrive $0xFFFF  }
0x55: {  	_ =	shalt  }

</sc_bundles>
